<compile_context>
chip_gen: v7x
topology: tpu7x:2x2x1
jax: 0.10.2.dev20260603
libtpu: 0.0.44.dev20260713+nightly
codegen_flags: <defaults>
</compile_context>

<pallas_src>
import functools

import jax
import jax.numpy as jnp
from jax import lax
from jax.experimental import pallas as pl
from jax.experimental.pallas import tpu as pltpu
from jax.experimental.pallas import tpu_sc as plsc

N_NODES = 10000
E_EDGES = 320000
DIM = 128
E_TOT = E_EDGES + N_NODES

NC = 2
NS = 16
NW = NC * NS
LANES = 16

G = 128
N_PAD = 10240
NBKT = NW
ROWS_BKT = N_PAD // NBKT
ACC_W = 144

BN = 2048

_mesh = plsc.VectorSubcoreMesh(core_axis_name="c", subcore_axis_name="s")
_sc_params = pltpu.CompilerParams(needs_layout_passes=False)


def _ceil_chunks(n_edges):
    per = G * NW
    return -(-n_edges // per)


CW_MAIN = _ceil_chunks(E_TOT)
E_PAD = CW_MAIN * G * NW
CW_K0 = _ceil_chunks(E_EDGES)
E0_PAD = CW_K0 * G * NW

SLOT_CAP = CW_MAIN * G
PART_SZ = NBKT * E_PAD + G


@jax.jit
def _sc_loop_attr_partials(dst, ea):
    @functools.partial(
        pl.kernel,
        out_type=jax.ShapeDtypeStruct((NC, NS, 2, N_PAD), jnp.float32),
        mesh=_mesh,
        compiler_params=_sc_params,
        scratch_types=[
            pltpu.VMEM((G,), jnp.int32),
            pltpu.VMEM((G,), jnp.float32),
            pltpu.VMEM((N_PAD,), jnp.float32),
            pltpu.VMEM((N_PAD,), jnp.float32),
        ],
    )
    def body(dst_h, ea_h, out_h, idst, eav, cnt, sm):
        cid = lax.axis_index("c")
        sid = lax.axis_index("s")
        wid = sid * NC + cid

        zero16 = jnp.zeros((LANES,), jnp.float32)

        @pl.loop(0, N_PAD, step=LANES)
        def _(i):
            cnt[pl.ds(i, LANES)] = zero16
            sm[pl.ds(i, LANES)] = zero16

        lane = lax.broadcasted_iota(jnp.int32, (LANES,), 0)
        ones = jnp.ones((LANES,), jnp.float32)
        base_chunk = wid * CW_K0

        @pl.loop(0, CW_K0)
        def _(c):
            ebase = (base_chunk + c) * G
            pltpu.sync_copy(dst_h.at[pl.ds(ebase, G)], idst)
            pltpu.sync_copy(ea_h.at[pl.ds(ebase, G)], eav)

            @pl.loop(0, G, step=LANES)
            def _(e0):
                egv = eav[pl.ds(e0, LANES)]
                dstg = idst[pl.ds(e0, LANES)]
                gbase = ebase + e0
                validv = (gbase + lane) < E_EDGES
                onesm = jnp.where(validv, ones, 0.0)
                egvm = jnp.where(validv, egv, 0.0)
                for j in range(LANES):
                    m = lane == j
                    plsc.addupdate_scatter(cnt, [dstg], onesm, mask=m)
                    plsc.addupdate_scatter(sm, [dstg], egvm, mask=m)

        pltpu.sync_copy(cnt, out_h.at[cid, sid, 0])
        pltpu.sync_copy(sm, out_h.at[cid, sid, 1])

    return body(dst, ea)


@jax.jit
def _sc_partition(src, dst, ea):
    @functools.partial(
        pl.kernel,
        out_type=(
            jax.ShapeDtypeStruct((PART_SZ,), jnp.int32),
            jax.ShapeDtypeStruct((PART_SZ,), jnp.int32),
            jax.ShapeDtypeStruct((PART_SZ,), jnp.float32),
            jax.ShapeDtypeStruct((NC, NS, NBKT), jnp.int32),
        ),
        mesh=_mesh,
        compiler_params=_sc_params,
        scratch_types=[
            pltpu.VMEM((G,), jnp.int32),
            pltpu.VMEM((G,), jnp.int32),
            pltpu.VMEM((G,), jnp.float32),
            pltpu.VMEM((G,), jnp.int32),
            pltpu.VMEM((NBKT,), jnp.int32),
            pltpu.SMEM((NBKT,), jnp.int32),
        ],
    )
    def body(src_h, dst_h, ea_h, srcp_h, dstp_h, eap_h, cnt_h,
             isrc, idst, eav, posb, cdump, cnt):
        cid = lax.axis_index("c")
        sid = lax.axis_index("s")
        wid = sid * NC + cid

        @pl.loop(0, NBKT)
        def _(i):
            cnt[i] = 0

        lane = lax.broadcasted_iota(jnp.int32, (LANES,), 0)
        zero16i = jnp.zeros((LANES,), jnp.int32)
        my_slot = wid * SLOT_CAP
        trash = NBKT * E_PAD

        @pl.loop(0, CW_MAIN)
        def _(c):
            ebase = (wid * CW_MAIN + c) * G
            pltpu.sync_copy(src_h.at[pl.ds(ebase, G)], isrc)
            pltpu.sync_copy(dst_h.at[pl.ds(ebase, G)], idst)
            pltpu.sync_copy(ea_h.at[pl.ds(ebase, G)], eav)

            @pl.loop(0, G, step=LANES)
            def _(e0):
                dg = idst[pl.ds(e0, LANES)]
                pvec = zero16i
                for j in range(LANES):
                    vj = (ebase + e0 + j) < E_TOT
                    d_j = dg[j]
                    b_j = d_j & (NBKT - 1)
                    cj = cnt[b_j]
                    pos_j = jnp.where(vj, b_j * E_PAD + my_slot + cj,
                                      trash + j)
                    cnt[b_j] = cj + vj.astype(jnp.int32)
                    pvec = jnp.where(lane == j, pos_j, pvec)
                posb[pl.ds(e0, LANES)] = pvec

            pltpu.sync_copy(isrc, srcp_h.at[posb])
            pltpu.sync_copy(idst, dstp_h.at[posb])
            pltpu.sync_copy(eav, eap_h.at[posb])

        v0 = zero16i
        v1 = zero16i
        for j in range(LANES):
            v0 = jnp.where(lane == j, cnt[j], v0)
            v1 = jnp.where(lane == j, cnt[LANES + j], v1)
        cdump[pl.ds(0, LANES)] = v0
        cdump[pl.ds(LANES, LANES)] = v1
        pltpu.sync_copy(cdump, cnt_h.at[cid, sid])

    return body(src, dst, ea)


@jax.jit
def _sc_edge_pass(src_p, dst_p, ea_p, counts, xl, xr, we_v, att_v):
    @functools.partial(
        pl.kernel,
        out_type=jax.ShapeDtypeStruct((NC, NS, ROWS_BKT, ACC_W), jnp.float32),
        mesh=_mesh,
        compiler_params=_sc_params,
        scratch_types=[
            pltpu.VMEM((G,), jnp.int32),
            pltpu.VMEM((G,), jnp.int32),
            pltpu.VMEM((G,), jnp.float32),
            pltpu.VMEM((G, DIM), jnp.float32),
            pltpu.VMEM((G, DIM), jnp.float32),
            pltpu.VMEM((DIM,), jnp.float32),
            pltpu.VMEM((DIM,), jnp.float32),
            pltpu.VMEM((NBKT,), jnp.int32),
            pltpu.VMEM((ROWS_BKT, ACC_W), jnp.float32),
            pltpu.SemaphoreType.DMA,
        ],
    )
    def body(srcp_h, dstp_h, eap_h, cnt_h, xl_h, xr_h, we_h, att_h, out_h,
             isrc, idst, eav, xlb, xrb, wev, attv, cbuf, acc, sem):
        cid = lax.axis_index("c")
        sid = lax.axis_index("s")
        bkt = 2 * sid + cid
        bhi = lax.shift_right_logical(bkt, 4)
        blo = bkt & (LANES - 1)

        zero16 = jnp.zeros((LANES,), jnp.float32)

        @pl.loop(0, ROWS_BKT)
        def _(r):
            for c0 in range(0, ACC_W, LANES):
                acc[r, pl.ds(c0, LANES)] = zero16

        pltpu.sync_copy(we_h, wev)
        pltpu.sync_copy(att_h, attv)

        lane = lax.broadcasted_iota(jnp.int32, (LANES,), 0)
        col_mask = lane == 0
        wevs = [wev[pl.ds(k * LANES, LANES)] for k in range(DIM // LANES)]
        attvs = [attv[pl.ds(k * LANES, LANES)] for k in range(DIM // LANES)]

        @pl.loop(0, NW)
        def _(w):
            cw = w & 1
            sw = lax.shift_right_logical(w, 1)
            pltpu.sync_copy(cnt_h.at[cw, sw], cbuf)
            cv = cbuf[pl.ds(bhi * LANES, LANES)]
            ns = jnp.sum(jnp.where(lane == blo, cv, 0))
            nch = lax.shift_right_logical(ns + (G - 1), 7)
            slot_base = bkt * E_PAD + w * SLOT_CAP

            @pl.loop(0, nch)
            def _(c):
                cbase = slot_base + c * G
                h1 = pltpu.async_copy(srcp_h.at[pl.ds(cbase, G)], isrc, sem)
                h2 = pltpu.async_copy(dstp_h.at[pl.ds(cbase, G)], idst, sem)
                h3 = pltpu.async_copy(eap_h.at[pl.ds(cbase, G)], eav, sem)
                h1.wait()
                h2.wait()
                h3.wait()

                for g in range(G // LANES):
                    sl = pl.ds(g * LANES, LANES)
                    val = (c * G + g * LANES + lane) < ns
                    idst[sl] = jnp.where(val, idst[sl], bkt)
                    isrc[sl] = jnp.where(val, isrc[sl], 0)

                g1 = pltpu.async_copy(xl_h.at[isrc], xlb, sem)
                g2 = pltpu.async_copy(xr_h.at[idst], xrb, sem)
                g1.wait()
                g2.wait()

                @pl.loop(0, G, step=LANES)
                def _(e0):
                    egv = eav[pl.ds(e0, LANES)]
                    dstg = idst[pl.ds(e0, LANES)]
                    dlg = lax.shift_right_logical(dstg, 5)
                    for j in range(LANES):
                        e = e0 + j
                        vj = (c * G + e) < ns
                        ea_e = egv[j]
                        acc_v = zero16
                        for k in range(DIM // LANES):
                            sl = pl.ds(k * LANES, LANES)
                            t = xlb[e, sl] + xrb[e, sl] + ea_e * wevs[k]
                            z = jnp.maximum(t, 0.2 * t)
                            acc_v = acc_v + z * attvs[k]
                        logit = jnp.sum(acc_v)
                        exv = jnp.exp(jnp.full((LANES,), logit, jnp.float32))
                        exv = jnp.where(vj, exv, zero16)
                        dl = dlg[j]
                        for k in range(DIM // LANES):
                            sl = pl.ds(k * LANES, LANES)
                            acc[dl, sl] = acc[dl, sl] + xlb[e, sl] * exv
                        dsl = pl.ds(DIM, LANES)
                        acc[dl, dsl] = acc[dl, dsl] + jnp.where(
                            col_mask, exv, zero16)

        pltpu.sync_copy(acc, out_h.at[cid, sid])

    return body(src_p, dst_p, ea_p, counts, xl, xr, we_v, att_v)


def _dotT(a, w):
    return lax.dot_general(a, w, (((1,), (1,)), ((), ())),
                           precision=lax.Precision.HIGHEST)


@jax.jit
def _tc_transform1(x, wl, wr, k0):
    def body(x_b, wl_b, wr_b, k0_b, xl_o, xr_o, la_o):
        xb = x_b[...]
        xl_o[...] = _dotT(xb, wl_b[...])
        xr_o[...] = _dotT(xb, wr_b[...])
        cnt = jnp.sum(k0_b[:, :, 0, :], axis=(0, 1))
        sm = jnp.sum(k0_b[:, :, 1, :], axis=(0, 1))
        la_o[...] = (sm / jnp.maximum(cnt, 1.0))[:, None]

    grid = (N_PAD // BN,)
    return pl.pallas_call(
        body,
        grid=grid,
        in_specs=[
            pl.BlockSpec((BN, DIM), lambda i: (i, 0)),
            pl.BlockSpec((DIM, DIM), lambda i: (0, 0)),
            pl.BlockSpec((DIM, DIM), lambda i: (0, 0)),
            pl.BlockSpec((NC, NS, 2, BN), lambda i: (0, 0, 0, i)),
        ],
        out_specs=[
            pl.BlockSpec((BN, DIM), lambda i: (i, 0)),
            pl.BlockSpec((BN, DIM), lambda i: (i, 0)),
            pl.BlockSpec((BN, 1), lambda i: (i, 0)),
        ],
        out_shape=[
            jax.ShapeDtypeStruct((N_PAD, DIM), jnp.float32),
            jax.ShapeDtypeStruct((N_PAD, DIM), jnp.float32),
            jax.ShapeDtypeStruct((N_PAD, 1), jnp.float32),
        ],
    )(x, wl, wr, k0)


@jax.jit
def _tc_combine_transform(acc, b, wl_next, wr_next):
    def body(a_b, b_b, wl_b, wr_b, co_o, xl_o, xr_o):
        a = a_b[...]
        den = a[:, DIM:DIM + 1]
        comb = a[:, :DIM] / (den + 1e-16) + b_b[...]
        co_o[...] = comb
        h = jnp.maximum(comb, 0.0)
        xl_o[...] = _dotT(h, wl_b[...])
        xr_o[...] = _dotT(h, wr_b[...])

    grid = (N_PAD // BN,)
    return pl.pallas_call(
        body,
        grid=grid,
        in_specs=[
            pl.BlockSpec((BN, ACC_W), lambda i: (i, 0)),
            pl.BlockSpec((1, DIM), lambda i: (0, 0)),
            pl.BlockSpec((DIM, DIM), lambda i: (0, 0)),
            pl.BlockSpec((DIM, DIM), lambda i: (0, 0)),
        ],
        out_specs=[
            pl.BlockSpec((BN, DIM), lambda i: (i, 0)),
            pl.BlockSpec((BN, DIM), lambda i: (i, 0)),
            pl.BlockSpec((BN, DIM), lambda i: (i, 0)),
        ],
        out_shape=[
            jax.ShapeDtypeStruct((N_PAD, DIM), jnp.float32),
            jax.ShapeDtypeStruct((N_PAD, DIM), jnp.float32),
            jax.ShapeDtypeStruct((N_PAD, DIM), jnp.float32),
        ],
    )(acc, b, wl_next, wr_next)


def kernel(x, edge_index, edge_attr, Wl1, Wr1, We1, att1, b1,
           Wl2, Wr2, We2, att2, b2):
    src0 = edge_index[0]
    dst0 = edge_index[1]
    loop = jnp.arange(N_NODES, dtype=jnp.int32)

    src = jnp.concatenate(
        [src0, loop, jnp.zeros((E_PAD - E_TOT,), jnp.int32)])
    dst = jnp.concatenate(
        [dst0, loop, jnp.zeros((E_PAD - E_TOT,), jnp.int32)])
    dst_k0 = jnp.concatenate(
        [dst0, jnp.zeros((E0_PAD - E_EDGES,), jnp.int32)])
    ea0 = jnp.concatenate(
        [edge_attr[:, 0], jnp.zeros((E0_PAD - E_EDGES,), jnp.float32)])

    x_pad = jnp.pad(x, ((0, N_PAD - N_NODES), (0, 0)))

    k0 = _sc_loop_attr_partials(dst_k0, ea0)
    xl1, xr1, loop_attr = _tc_transform1(x_pad, Wl1, Wr1, k0)

    ea = jnp.concatenate(
        [edge_attr[:, 0], loop_attr[:N_NODES, 0],
         jnp.zeros((E_PAD - E_TOT,), jnp.float32)])

    src_p, dst_p, ea_p, counts = _sc_partition(src, dst, ea)

    we_s = jnp.stack([We1[:, 0], We2[:, 0]])
    att_s = jnp.stack([att1, att2])
    b_s = jnp.stack([b1.reshape(1, DIM), b2.reshape(1, DIM)])
    wl_s = jnp.stack([Wl2, Wl2])
    wr_s = jnp.stack([Wr2, Wr2])

    def step(carry, p):
        xl, xr = carry
        we_i, att_i, b_i, wl_i, wr_i = p
        accs = _sc_edge_pass(src_p, dst_p, ea_p, counts, xl, xr, we_i, att_i)
        acc = jnp.transpose(accs, (2, 1, 0, 3)).reshape(N_PAD, ACC_W)
        comb, xl_n, xr_n = _tc_combine_transform(acc, b_i, wl_i, wr_i)
        return (xl_n, xr_n), comb

    _, outs = lax.scan(step, (xl1, xr1), (we_s, att_s, b_s, wl_s, wr_s))
    return outs[1][:N_NODES]

# --- scband reference (transcript-rebuilt; emitter-appended) ---
"""Pipeline reference for scband-gat2-1709396984305 (READ-ONLY COPY).

The authoritative reference and input builder live on the scoring server;
editing this copy changes nothing except your own understanding.
"""

import jax, jax.numpy as jnp
import numpy as np

N = 10000
E = 320000
D = 128


def setup_inputs(seed: int = 0) -> dict:
    key = jax.random.key(seed)
    ks = jax.random.split(key, 13)
    s = 1.0 / np.sqrt(D)
    x = jax.random.normal(ks[0], (N, D), dtype=jnp.float32)
    edge_index = jax.random.randint(ks[1], (2, E), 0, N, dtype=jnp.int32)
    edge_attr = jax.random.uniform(ks[2], (E, 1), dtype=jnp.float32)
    Wl1 = jax.random.normal(ks[3], (D, D), dtype=jnp.float32) * s
    Wr1 = jax.random.normal(ks[4], (D, D), dtype=jnp.float32) * s
    We1 = jax.random.normal(ks[5], (D, 1), dtype=jnp.float32) * s
    att1 = jax.random.normal(ks[6], (D,), dtype=jnp.float32) * s
    b1 = jnp.zeros((D,), dtype=jnp.float32)
    Wl2 = jax.random.normal(ks[7], (D, D), dtype=jnp.float32) * s
    Wr2 = jax.random.normal(ks[8], (D, D), dtype=jnp.float32) * s
    We2 = jax.random.normal(ks[9], (D, 1), dtype=jnp.float32) * s
    att2 = jax.random.normal(ks[10], (D,), dtype=jnp.float32) * s
    b2 = jnp.zeros((D,), dtype=jnp.float32)
    return {"x": x, "edge_index": edge_index, "edge_attr": edge_attr,
            "Wl1": Wl1, "Wr1": Wr1, "We1": We1, "att1": att1, "b1": b1,
            "Wl2": Wl2, "Wr2": Wr2, "We2": We2, "att2": att2, "b2": b2}


def _gatv2_layer(x, src, dst, ea, Wl, Wr, We, att, b):
    # GATv2Conv, heads=1, edge_dim=1 (eval mode, no dropout)
    xl = x @ Wl.T              # source transform (message content)
    xr = x @ Wr.T              # target transform
    ef = ea @ We.T             # edge feature transform
    z = xl[src] + xr[dst] + ef
    z = jnp.where(z > 0, z, 0.2 * z)   # LeakyReLU(0.2)
    logits = z @ att                    # [E_tot]
    m = jax.ops.segment_max(logits, dst, num_segments=N)
    m = jnp.where(jnp.isfinite(m), m, 0.0)
    ex = jnp.exp(logits - m[dst])
    den = jax.ops.segment_sum(ex, dst, num_segments=N)
    alpha = ex / (den[dst] + 1e-16)
    out = jax.ops.segment_sum(alpha[:, None] * xl[src], dst, num_segments=N)
    return out + b


def reference(x, edge_index, edge_attr, Wl1, Wr1, We1, att1, b1, Wl2, Wr2, We2, att2, b2):
    src0 = edge_index[0]
    dst0 = edge_index[1]
    # add self-loops with fill_value='mean' (per-dst-node mean of incoming edge_attr)
    cnt = jax.ops.segment_sum(jnp.ones((E,), dtype=jnp.float32), dst0, num_segments=N)
    sm = jax.ops.segment_sum(edge_attr, dst0, num_segments=N)
    loop_attr = sm / jnp.maximum(cnt, 1.0)[:, None]
    loop = jnp.arange(N, dtype=src0.dtype)
    src = jnp.concatenate([src0, loop])
    dst = jnp.concatenate([dst0, loop])
    ea = jnp.concatenate([edge_attr, loop_attr], axis=0)
    h = _gatv2_layer(x, src, dst, ea, Wl1, Wr1, We1, att1, b1)
    h = jax.nn.relu(h)
    out = _gatv2_layer(h, src, dst, ea, Wl2, Wr2, We2, att2, b2)
    return out

if __name__ == "__main__":
    import jax
    _d = setup_inputs()
    print(jax.jit(kernel)(*tuple(_d.values())))

</pallas_src>

<mosaic_0001>
#map = affine_map<(d0, d1) -> (0)>
#map1 = affine_map<(d0, d1) -> (0, 0, 0, 0)>
module attributes {stable_mosaic.version = 14 : i64} {
  func.func @body(%arg0: i32, %arg1: i32, %arg2: memref<323584xi32, #tpu.memory_space<hbm>>, %arg3: memref<323584xf32, #tpu.memory_space<hbm>>, %arg4: memref<2x16x2x10240xf32, #tpu.memory_space<hbm>>, %arg5: memref<128xi32, #tpu.memory_space<vmem>>, %arg6: memref<128xf32, #tpu.memory_space<vmem>>, %arg7: memref<10240xf32, #tpu.memory_space<vmem>>, %arg8: memref<10240xf32, #tpu.memory_space<vmem>>) attributes {dimension_semantics = [#tpu.dimension_semantics<core_parallel>, #tpu.dimension_semantics<subcore_parallel>], iteration_bounds = array<i64: 2, 16>, scalar_prefetch = 0 : i64, scratch_operands = 4 : i64, tpu.core_type = #tpu.core_type<sc_vector_subcore>, window_params = [{transform_indices = #map}, {transform_indices = #map}, {transform_indices = #map1}]} {
    %mul3A = arith.constant 2 : i32
    %mul3A_0 = arith.muli %arg1, %mul3A : i32
    %add3A = arith.addi %mul3A_0, %arg0 : i32
    %broadcast_in_dim3A = arith.constant 0.000000e+00 : f32
    %broadcast_in_dim3A_1 = vector.broadcast %broadcast_in_dim3A : f32 to vector<16xf32>
    %scan3A = arith.constant 0 : i32
    %scan3A_2 = arith.constant 640 : i32
    %scan3A_3 = arith.addi %scan3A, %scan3A_2 : i32
    %scan3A_4 = arith.constant 1 : i32
    scf.for %scan3A_16 = %scan3A to %scan3A_3 step %scan3A_4  : i32 {
      %mul3A_17 = arith.constant 16 : i32
      %mul3A_18 = arith.muli %scan3A_16, %mul3A_17 : i32
      %add3A_19 = arith.constant 0 : i32
      %add3A_20 = arith.addi %add3A_19, %mul3A_18 : i32
      %swap3A = arith.index_cast %add3A_20 : i32 to index
      %swap3A_21 = tpu.vector_load %arg7[%swap3A] {strides = array<i32>} : memref<10240xf32, #tpu.memory_space<vmem>>, vector<16xf32>,
      tpu.vector_store %arg7[%swap3A], %broadcast_in_dim3A_1 {strides = array<i32>} : memref<10240xf32, #tpu.memory_space<vmem>>, vector<16xf32>,
      %swap3A_22 = arith.index_cast %add3A_20 : i32 to index
      %swap3A_23 = tpu.vector_load %arg8[%swap3A_22] {strides = array<i32>} : memref<10240xf32, #tpu.memory_space<vmem>>, vector<16xf32>,
      tpu.vector_store %arg8[%swap3A_22], %broadcast_in_dim3A_1 {strides = array<i32>} : memref<10240xf32, #tpu.memory_space<vmem>>, vector<16xf32>,
    }
    %scan3A_5 = arith.constant 640 : i32
    %iota3A = tpu.iota {dimensions = array<i32: 0>} : vector<16xi32>
    %broadcast_in_dim3A_6 = arith.constant 1.000000e+00 : f32
    %broadcast_in_dim3A_7 = vector.broadcast %broadcast_in_dim3A_6 : f32 to vector<16xf32>
    %mul3A_8 = arith.constant 79 : i32
    %mul3A_9 = arith.muli %add3A, %mul3A_8 : i32
    %scan3A_10 = arith.constant 0 : i32
    %scan3A_11 = arith.constant 79 : i32
    %scan3A_12 = arith.addi %scan3A_10, %scan3A_11 : i32
    %scan3A_13 = arith.constant 1 : i32
    scf.for %scan3A_16 = %scan3A_10 to %scan3A_12 step %scan3A_13  : i32 {
      %mul3A_17 = arith.constant 1 : i32
      %mul3A_18 = arith.muli %scan3A_16, %mul3A_17 : i32
      %add3A_19 = arith.constant 0 : i32
      %add3A_20 = arith.addi %add3A_19, %mul3A_18 : i32
      %add3A_21 = arith.addi %mul3A_9, %add3A_20 : i32
      %mul3A_22 = arith.constant 128 : i32
      %mul3A_23 = arith.muli %add3A_21, %mul3A_22 : i32
      "tpu.region"() ({
        %run_scoped3A_29 = tpu.sem_alloc : memref<!tpu.dma_semaphore, #tpu.memory_space<semaphore_mem>>
        %dma_start3A = tpu.memref_slice %arg2[%mul3A_23] : memref<323584xi32, #tpu.memory_space<hbm>> -> memref<128xi32, #tpu.memory_space<hbm>>
        %dma_start3A_30 = tpu.memref_slice %arg2[%mul3A_23] : memref<323584xi32, #tpu.memory_space<hbm>> -> memref<128xi32, #tpu.memory_space<hbm>>
        tpu.enqueue_dma source(%dma_start3A_30 : memref<128xi32, #tpu.memory_space<hbm>>) target(%arg5 : memref<128xi32, #tpu.memory_space<vmem>>) target_semaphore(%run_scoped3A_29 : memref<!tpu.dma_semaphore, #tpu.memory_space<semaphore_mem>>)
        %dma_wait3A = tpu.memref_slice %arg2[%mul3A_23] : memref<323584xi32, #tpu.memory_space<hbm>> -> memref<128xi32, #tpu.memory_space<hbm>>
        %dma_wait3A_31 = tpu.memref_slice %arg2[%mul3A_23] : memref<323584xi32, #tpu.memory_space<hbm>> -> memref<128xi32, #tpu.memory_space<hbm>>
        tpu.wait_dma2 semaphore(%run_scoped3A_29 : memref<!tpu.dma_semaphore, #tpu.memory_space<semaphore_mem>>) src(%dma_wait3A_31 : memref<128xi32, #tpu.memory_space<hbm>>) dst(%arg5 : memref<128xi32, #tpu.memory_space<vmem>>)
        tpu.yield
      }) : () -> ()
      "tpu.region"() ({
        %run_scoped3A_29 = tpu.sem_alloc : memref<!tpu.dma_semaphore, #tpu.memory_space<semaphore_mem>>
        %dma_start3A = tpu.memref_slice %arg3[%mul3A_23] : memref<323584xf32, #tpu.memory_space<hbm>> -> memref<128xf32, #tpu.memory_space<hbm>>
        %dma_start3A_30 = tpu.memref_slice %arg3[%mul3A_23] : memref<323584xf32, #tpu.memory_space<hbm>> -> memref<128xf32, #tpu.memory_space<hbm>>
        tpu.enqueue_dma source(%dma_start3A_30 : memref<128xf32, #tpu.memory_space<hbm>>) target(%arg6 : memref<128xf32, #tpu.memory_space<vmem>>) target_semaphore(%run_scoped3A_29 : memref<!tpu.dma_semaphore, #tpu.memory_space<semaphore_mem>>)
        %dma_wait3A = tpu.memref_slice %arg3[%mul3A_23] : memref<323584xf32, #tpu.memory_space<hbm>> -> memref<128xf32, #tpu.memory_space<hbm>>
        %dma_wait3A_31 = tpu.memref_slice %arg3[%mul3A_23] : memref<323584xf32, #tpu.memory_space<hbm>> -> memref<128xf32, #tpu.memory_space<hbm>>
        tpu.wait_dma2 semaphore(%run_scoped3A_29 : memref<!tpu.dma_semaphore, #tpu.memory_space<semaphore_mem>>) src(%dma_wait3A_31 : memref<128xf32, #tpu.memory_space<hbm>>) dst(%arg6 : memref<128xf32, #tpu.memory_space<vmem>>)
        tpu.yield
      }) : () -> ()
      %scan3A_24 = arith.constant 0 : i32
      %scan3A_25 = arith.constant 8 : i32
      %scan3A_26 = arith.addi %scan3A_24, %scan3A_25 : i32
      %scan3A_27 = arith.constant 1 : i32
      scf.for %scan3A_29 = %scan3A_24 to %scan3A_26 step %scan3A_27  : i32 {
        %mul3A_30 = arith.constant 16 : i32
        %mul3A_31 = arith.muli %scan3A_29, %mul3A_30 : i32
        %add3A_32 = arith.constant 0 : i32
        %add3A_33 = arith.addi %add3A_32, %mul3A_31 : i32
        %get3A = arith.index_cast %add3A_33 : i32 to index
        %get3A_34 = tpu.vector_load %arg6[%get3A] {strides = array<i32>} : memref<128xf32, #tpu.memory_space<vmem>>, vector<16xf32>,
        %get3A_35 = arith.index_cast %add3A_33 : i32 to index
        %get3A_36 = tpu.vector_load %arg5[%get3A_35] {strides = array<i32>} : memref<128xi32, #tpu.memory_space<vmem>>, vector<16xi32>,
        %add3A_37 = arith.addi %mul3A_23, %add3A_33 : i32
        %add3A_38 = vector.broadcast %add3A_37 : i32 to vector<16xi32>
        %add3A_39 = arith.addi %add3A_38, %iota3A : vector<16xi32>
        %lt3A = arith.constant 320000 : i32
        %lt3A_40 = vector.broadcast %lt3A : i32 to vector<16xi32>
        %lt3A_41 = arith.cmpi slt, %add3A_39, %lt3A_40 : vector<16xi32>
        %jit3A = arith.constant 0.000000e+00 : f32
        %broadcast_in_dim3A_42 = vector.broadcast %jit3A : f32 to vector<16xf32>
        %select_n3A = arith.select %lt3A_41, %broadcast_in_dim3A_7, %broadcast_in_dim3A_42 : vector<16xi1>, vector<16xf32>
        %jit3A_43 = arith.constant 0.000000e+00 : f32
        %broadcast_in_dim3A_44 = vector.broadcast %jit3A_43 : f32 to vector<16xf32>
        %select_n3A_45 = arith.select %lt3A_41, %get3A_34, %broadcast_in_dim3A_44 : vector<16xi1>, vector<16xf32>
        %eq3A = arith.constant 0 : i32
        %eq3A_46 = vector.broadcast %eq3A : i32 to vector<16xi32>
        %eq3A_47 = arith.cmpi eq, %iota3A, %eq3A_46 : vector<16xi32>
        tpu.vector_store_idx %arg7[%get3A_36], %select_n3A masked %eq3A_47 {add = true} : memref<10240xf32, #tpu.memory_space<vmem>>[vector<16xi32>], vector<16xf32>, vector<16xi1>
        tpu.vector_store_idx %arg8[%get3A_36], %select_n3A_45 masked %eq3A_47 {add = true} : memref<10240xf32, #tpu.memory_space<vmem>>[vector<16xi32>], vector<16xf32>, vector<16xi1>
        %eq3A_48 = arith.constant 1 : i32
        %eq3A_49 = vector.broadcast %eq3A_48 : i32 to vector<16xi32>
        %eq3A_50 = arith.cmpi eq, %iota3A, %eq3A_49 : vector<16xi32>
        tpu.vector_store_idx %arg7[%get3A_36], %select_n3A masked %eq3A_50 {add = true} : memref<10240xf32, #tpu.memory_space<vmem>>[vector<16xi32>], vector<16xf32>, vector<16xi1>
        tpu.vector_store_idx %arg8[%get3A_36], %select_n3A_45 masked %eq3A_50 {add = true} : memref<10240xf32, #tpu.memory_space<vmem>>[vector<16xi32>], vector<16xf32>, vector<16xi1>
        %eq3A_51 = arith.constant 2 : i32
        %eq3A_52 = vector.broadcast %eq3A_51 : i32 to vector<16xi32>
        %eq3A_53 = arith.cmpi eq, %iota3A, %eq3A_52 : vector<16xi32>
        tpu.vector_store_idx %arg7[%get3A_36], %select_n3A masked %eq3A_53 {add = true} : memref<10240xf32, #tpu.memory_space<vmem>>[vector<16xi32>], vector<16xf32>, vector<16xi1>
        tpu.vector_store_idx %arg8[%get3A_36], %select_n3A_45 masked %eq3A_53 {add = true} : memref<10240xf32, #tpu.memory_space<vmem>>[vector<16xi32>], vector<16xf32>, vector<16xi1>
        %eq3A_54 = arith.constant 3 : i32
        %eq3A_55 = vector.broadcast %eq3A_54 : i32 to vector<16xi32>
        %eq3A_56 = arith.cmpi eq, %iota3A, %eq3A_55 : vector<16xi32>
        tpu.vector_store_idx %arg7[%get3A_36], %select_n3A masked %eq3A_56 {add = true} : memref<10240xf32, #tpu.memory_space<vmem>>[vector<16xi32>], vector<16xf32>, vector<16xi1>
        tpu.vector_store_idx %arg8[%get3A_36], %select_n3A_45 masked %eq3A_56 {add = true} : memref<10240xf32, #tpu.memory_space<vmem>>[vector<16xi32>], vector<16xf32>, vector<16xi1>
        %eq3A_57 = arith.constant 4 : i32
        %eq3A_58 = vector.broadcast %eq3A_57 : i32 to vector<16xi32>
        %eq3A_59 = arith.cmpi eq, %iota3A, %eq3A_58 : vector<16xi32>
        tpu.vector_store_idx %arg7[%get3A_36], %select_n3A masked %eq3A_59 {add = true} : memref<10240xf32, #tpu.memory_space<vmem>>[vector<16xi32>], vector<16xf32>, vector<16xi1>
        tpu.vector_store_idx %arg8[%get3A_36], %select_n3A_45 masked %eq3A_59 {add = true} : memref<10240xf32, #tpu.memory_space<vmem>>[vector<16xi32>], vector<16xf32>, vector<16xi1>
        %eq3A_60 = arith.constant 5 : i32
        %eq3A_61 = vector.broadcast %eq3A_60 : i32 to vector<16xi32>
        %eq3A_62 = arith.cmpi eq, %iota3A, %eq3A_61 : vector<16xi32>
        tpu.vector_store_idx %arg7[%get3A_36], %select_n3A masked %eq3A_62 {add = true} : memref<10240xf32, #tpu.memory_space<vmem>>[vector<16xi32>], vector<16xf32>, vector<16xi1>
        tpu.vector_store_idx %arg8[%get3A_36], %select_n3A_45 masked %eq3A_62 {add = true} : memref<10240xf32, #tpu.memory_space<vmem>>[vector<16xi32>], vector<16xf32>, vector<16xi1>
        %eq3A_63 = arith.constant 6 : i32
        %eq3A_64 = vector.broadcast %eq3A_63 : i32 to vector<16xi32>
        %eq3A_65 = arith.cmpi eq, %iota3A, %eq3A_64 : vector<16xi32>
        tpu.vector_store_idx %arg7[%get3A_36], %select_n3A masked %eq3A_65 {add = true} : memref<10240xf32, #tpu.memory_space<vmem>>[vector<16xi32>], vector<16xf32>, vector<16xi1>
        tpu.vector_store_idx %arg8[%get3A_36], %select_n3A_45 masked %eq3A_65 {add = true} : memref<10240xf32, #tpu.memory_space<vmem>>[vector<16xi32>], vector<16xf32>, vector<16xi1>
        %eq3A_66 = arith.constant 7 : i32
        %eq3A_67 = vector.broadcast %eq3A_66 : i32 to vector<16xi32>
        %eq3A_68 = arith.cmpi eq, %iota3A, %eq3A_67 : vector<16xi32>
        tpu.vector_store_idx %arg7[%get3A_36], %select_n3A masked %eq3A_68 {add = true} : memref<10240xf32, #tpu.memory_space<vmem>>[vector<16xi32>], vector<16xf32>, vector<16xi1>
        tpu.vector_store_idx %arg8[%get3A_36], %select_n3A_45 masked %eq3A_68 {add = true} : memref<10240xf32, #tpu.memory_space<vmem>>[vector<16xi32>], vector<16xf32>, vector<16xi1>
        %eq3A_69 = arith.constant 8 : i32
        %eq3A_70 = vector.broadcast %eq3A_69 : i32 to vector<16xi32>
        %eq3A_71 = arith.cmpi eq, %iota3A, %eq3A_70 : vector<16xi32>
        tpu.vector_store_idx %arg7[%get3A_36], %select_n3A masked %eq3A_71 {add = true} : memref<10240xf32, #tpu.memory_space<vmem>>[vector<16xi32>], vector<16xf32>, vector<16xi1>
        tpu.vector_store_idx %arg8[%get3A_36], %select_n3A_45 masked %eq3A_71 {add = true} : memref<10240xf32, #tpu.memory_space<vmem>>[vector<16xi32>], vector<16xf32>, vector<16xi1>
        %eq3A_72 = arith.constant 9 : i32
        %eq3A_73 = vector.broadcast %eq3A_72 : i32 to vector<16xi32>
        %eq3A_74 = arith.cmpi eq, %iota3A, %eq3A_73 : vector<16xi32>
        tpu.vector_store_idx %arg7[%get3A_36], %select_n3A masked %eq3A_74 {add = true} : memref<10240xf32, #tpu.memory_space<vmem>>[vector<16xi32>], vector<16xf32>, vector<16xi1>
        tpu.vector_store_idx %arg8[%get3A_36], %select_n3A_45 masked %eq3A_74 {add = true} : memref<10240xf32, #tpu.memory_space<vmem>>[vector<16xi32>], vector<16xf32>, vector<16xi1>
        %eq3A_75 = arith.constant 10 : i32
        %eq3A_76 = vector.broadcast %eq3A_75 : i32 to vector<16xi32>
        %eq3A_77 = arith.cmpi eq, %iota3A, %eq3A_76 : vector<16xi32>
        tpu.vector_store_idx %arg7[%get3A_36], %select_n3A masked %eq3A_77 {add = true} : memref<10240xf32, #tpu.memory_space<vmem>>[vector<16xi32>], vector<16xf32>, vector<16xi1>
        tpu.vector_store_idx %arg8[%get3A_36], %select_n3A_45 masked %eq3A_77 {add = true} : memref<10240xf32, #tpu.memory_space<vmem>>[vector<16xi32>], vector<16xf32>, vector<16xi1>
        %eq3A_78 = arith.constant 11 : i32
        %eq3A_79 = vector.broadcast %eq3A_78 : i32 to vector<16xi32>
        %eq3A_80 = arith.cmpi eq, %iota3A, %eq3A_79 : vector<16xi32>
        tpu.vector_store_idx %arg7[%get3A_36], %select_n3A masked %eq3A_80 {add = true} : memref<10240xf32, #tpu.memory_space<vmem>>[vector<16xi32>], vector<16xf32>, vector<16xi1>
        tpu.vector_store_idx %arg8[%get3A_36], %select_n3A_45 masked %eq3A_80 {add = true} : memref<10240xf32, #tpu.memory_space<vmem>>[vector<16xi32>], vector<16xf32>, vector<16xi1>
        %eq3A_81 = arith.constant 12 : i32
        %eq3A_82 = vector.broadcast %eq3A_81 : i32 to vector<16xi32>
        %eq3A_83 = arith.cmpi eq, %iota3A, %eq3A_82 : vector<16xi32>
        tpu.vector_store_idx %arg7[%get3A_36], %select_n3A masked %eq3A_83 {add = true} : memref<10240xf32, #tpu.memory_space<vmem>>[vector<16xi32>], vector<16xf32>, vector<16xi1>
        tpu.vector_store_idx %arg8[%get3A_36], %select_n3A_45 masked %eq3A_83 {add = true} : memref<10240xf32, #tpu.memory_space<vmem>>[vector<16xi32>], vector<16xf32>, vector<16xi1>
        %eq3A_84 = arith.constant 13 : i32
        %eq3A_85 = vector.broadcast %eq3A_84 : i32 to vector<16xi32>
        %eq3A_86 = arith.cmpi eq, %iota3A, %eq3A_85 : vector<16xi32>
        tpu.vector_store_idx %arg7[%get3A_36], %select_n3A masked %eq3A_86 {add = true} : memref<10240xf32, #tpu.memory_space<vmem>>[vector<16xi32>], vector<16xf32>, vector<16xi1>
        tpu.vector_store_idx %arg8[%get3A_36], %select_n3A_45 masked %eq3A_86 {add = true} : memref<10240xf32, #tpu.memory_space<vmem>>[vector<16xi32>], vector<16xf32>, vector<16xi1>
        %eq3A_87 = arith.constant 14 : i32
        %eq3A_88 = vector.broadcast %eq3A_87 : i32 to vector<16xi32>
        %eq3A_89 = arith.cmpi eq, %iota3A, %eq3A_88 : vector<16xi32>
        tpu.vector_store_idx %arg7[%get3A_36], %select_n3A masked %eq3A_89 {add = true} : memref<10240xf32, #tpu.memory_space<vmem>>[vector<16xi32>], vector<16xf32>, vector<16xi1>
        tpu.vector_store_idx %arg8[%get3A_36], %select_n3A_45 masked %eq3A_89 {add = true} : memref<10240xf32, #tpu.memory_space<vmem>>[vector<16xi32>], vector<16xf32>, vector<16xi1>
        %eq3A_90 = arith.constant 15 : i32
        %eq3A_91 = vector.broadcast %eq3A_90 : i32 to vector<16xi32>
        %eq3A_92 = arith.cmpi eq, %iota3A, %eq3A_91 : vector<16xi32>
        tpu.vector_store_idx %arg7[%get3A_36], %select_n3A masked %eq3A_92 {add = true} : memref<10240xf32, #tpu.memory_space<vmem>>[vector<16xi32>], vector<16xf32>, vector<16xi1>
        tpu.vector_store_idx %arg8[%get3A_36], %select_n3A_45 masked %eq3A_92 {add = true} : memref<10240xf32, #tpu.memory_space<vmem>>[vector<16xi32>], vector<16xf32>, vector<16xi1>
      }
      %scan3A_28 = arith.constant 8 : i32
    }
    %scan3A_14 = arith.constant 79 : i32
    %run_scoped3A = arith.constant 0 : i32
    "tpu.region"() ({
      %run_scoped3A_16 = tpu.sem_alloc : memref<!tpu.dma_semaphore, #tpu.memory_space<semaphore_mem>>
      %dma_start3A = arith.constant 0 : i32
      %dma_start3A_17 = tpu.memref_slice %arg4[%arg0, %arg1, %run_scoped3A, %dma_start3A] : memref<2x16x2x10240xf32, #tpu.memory_space<hbm>> -> memref<1x1x1x10240xf32, #tpu.memory_space<hbm>>
      %dma_start3A_18 = tpu.memref_squeeze %dma_start3A_17 : memref<1x1x1x10240xf32, #tpu.memory_space<hbm>> -> memref<10240xf32, #tpu.memory_space<hbm>>
      %dma_start3A_19 = arith.constant 0 : i32
      %dma_start3A_20 = tpu.memref_slice %arg4[%arg0, %arg1, %run_scoped3A, %dma_start3A_19] : memref<2x16x2x10240xf32, #tpu.memory_space<hbm>> -> memref<1x1x1x10240xf32, #tpu.memory_space<hbm>>
      %dma_start3A_21 = tpu.memref_squeeze %dma_start3A_20 : memref<1x1x1x10240xf32, #tpu.memory_space<hbm>> -> memref<10240xf32, #tpu.memory_space<hbm>>
      tpu.enqueue_dma source(%arg7 : memref<10240xf32, #tpu.memory_space<vmem>>) target(%dma_start3A_21 : memref<10240xf32, #tpu.memory_space<hbm>>) target_semaphore(%run_scoped3A_16 : memref<!tpu.dma_semaphore, #tpu.memory_space<semaphore_mem>>)
      %dma_wait3A = arith.constant 0 : i32
      %dma_wait3A_22 = tpu.memref_slice %arg4[%arg0, %arg1, %run_scoped3A, %dma_wait3A] : memref<2x16x2x10240xf32, #tpu.memory_space<hbm>> -> memref<1x1x1x10240xf32, #tpu.memory_space<hbm>>
      %dma_wait3A_23 = tpu.memref_squeeze %dma_wait3A_22 : memref<1x1x1x10240xf32, #tpu.memory_space<hbm>> -> memref<10240xf32, #tpu.memory_space<hbm>>
      %dma_wait3A_24 = arith.constant 0 : i32
      %dma_wait3A_25 = tpu.memref_slice %arg4[%arg0, %arg1, %run_scoped3A, %dma_wait3A_24] : memref<2x16x2x10240xf32, #tpu.memory_space<hbm>> -> memref<1x1x1x10240xf32, #tpu.memory_space<hbm>>
      %dma_wait3A_26 = tpu.memref_squeeze %dma_wait3A_25 : memref<1x1x1x10240xf32, #tpu.memory_space<hbm>> -> memref<10240xf32, #tpu.memory_space<hbm>>
      tpu.wait_dma2 semaphore(%run_scoped3A_16 : memref<!tpu.dma_semaphore, #tpu.memory_space<semaphore_mem>>) src(%arg7 : memref<10240xf32, #tpu.memory_space<vmem>>) dst(%dma_wait3A_26 : memref<10240xf32, #tpu.memory_space<hbm>>)
      tpu.yield
    }) : () -> ()
    %run_scoped3A_15 = arith.constant 1 : i32
    "tpu.region"() ({
      %run_scoped3A_16 = tpu.sem_alloc : memref<!tpu.dma_semaphore, #tpu.memory_space<semaphore_mem>>
      %dma_start3A = arith.constant 0 : i32
      %dma_start3A_17 = tpu.memref_slice %arg4[%arg0, %arg1, %run_scoped3A_15, %dma_start3A] : memref<2x16x2x10240xf32, #tpu.memory_space<hbm>> -> memref<1x1x1x10240xf32, #tpu.memory_space<hbm>>
      %dma_start3A_18 = tpu.memref_squeeze %dma_start3A_17 : memref<1x1x1x10240xf32, #tpu.memory_space<hbm>> -> memref<10240xf32, #tpu.memory_space<hbm>>
      %dma_start3A_19 = arith.constant 0 : i32
      %dma_start3A_20 = tpu.memref_slice %arg4[%arg0, %arg1, %run_scoped3A_15, %dma_start3A_19] : memref<2x16x2x10240xf32, #tpu.memory_space<hbm>> -> memref<1x1x1x10240xf32, #tpu.memory_space<hbm>>
      %dma_start3A_21 = tpu.memref_squeeze %dma_start3A_20 : memref<1x1x1x10240xf32, #tpu.memory_space<hbm>> -> memref<10240xf32, #tpu.memory_space<hbm>>
      tpu.enqueue_dma source(%arg8 : memref<10240xf32, #tpu.memory_space<vmem>>) target(%dma_start3A_21 : memref<10240xf32, #tpu.memory_space<hbm>>) target_semaphore(%run_scoped3A_16 : memref<!tpu.dma_semaphore, #tpu.memory_space<semaphore_mem>>)
      %dma_wait3A = arith.constant 0 : i32
      %dma_wait3A_22 = tpu.memref_slice %arg4[%arg0, %arg1, %run_scoped3A_15, %dma_wait3A] : memref<2x16x2x10240xf32, #tpu.memory_space<hbm>> -> memref<1x1x1x10240xf32, #tpu.memory_space<hbm>>
      %dma_wait3A_23 = tpu.memref_squeeze %dma_wait3A_22 : memref<1x1x1x10240xf32, #tpu.memory_space<hbm>> -> memref<10240xf32, #tpu.memory_space<hbm>>
      %dma_wait3A_24 = arith.constant 0 : i32
      %dma_wait3A_25 = tpu.memref_slice %arg4[%arg0, %arg1, %run_scoped3A_15, %dma_wait3A_24] : memref<2x16x2x10240xf32, #tpu.memory_space<hbm>> -> memref<1x1x1x10240xf32, #tpu.memory_space<hbm>>
      %dma_wait3A_26 = tpu.memref_squeeze %dma_wait3A_25 : memref<1x1x1x10240xf32, #tpu.memory_space<hbm>> -> memref<10240xf32, #tpu.memory_space<hbm>>
      tpu.wait_dma2 semaphore(%run_scoped3A_16 : memref<!tpu.dma_semaphore, #tpu.memory_space<semaphore_mem>>) src(%arg8 : memref<10240xf32, #tpu.memory_space<vmem>>) dst(%dma_wait3A_26 : memref<10240xf32, #tpu.memory_space<hbm>>)
      tpu.yield
    }) : () -> ()
    return
  }
}

</mosaic_0001>

<sc_bundles>
// kernel: _sc_loop_attr_partials.3.cloned.1.call-start
scs
__scs_entry_jumppad:
0x0: {  	(pc) =	sbr.rel $0x88, $3  }
0x1: {  	(tag) =	ssettag $0x0;
	lr =	simm.s32 $0x1  }
0x2: {  	[smem:$0x3F9F] =	sst lr;
	_ =	strace $0xD0000000  }
0x3: {  	_ = 	snop  }
0x4: {  	_ = 	snop  }
0x5: {  	_ = 	snop  }
0x6: {  	_ = 	snop  }
0x7: {  	_ = 	snop  }
__scs_overlays_trampoline_lowered:
0x8: {  	[smem:$0x3FAE] =	sst s0  }
0x9: {  	[smem:$0x3FAF] =	sst s1  }
0xa: {  	[smem:$0x3FB0] =	sst s2  }
0xb: {  	[smem:$0x3FB1] =	sst s3  }
0xc: {  	[smem:$0x3FB2] =	sst s4  }
0xd: {  	[smem:$0x3FB3] =	sst s5  }
0xe: {  	[smem:$0x3FB4] =	sst s6  }
0xf: {  	[smem:$0x3FB5] =	sst s7  }
0x10: {  	[smem:$0x3FB6] =	sst s8  }
0x11: {  	[smem:$0x3FB7] =	sst s9;
	s0 =	simm.s32 @!p0 $0x0  }
0x12: {  	s1 =	sld [smem:$0x3F9D];
	s0 =	simm.s32 @p0 $0x1  }
0x13: {  	[smem:$0x3FB8] =	sst s0;
	s0 =	simm.s32 @!p1 $0x0  }
0x14: {  	s2 =	sld [smem:$0x3F9C];
	s0 =	simm.s32 @p1 $0x1  }
0x15: {  	[smem:$0x3FB9] =	sst s0;
	s0 =	simm.s32 @!p2 $0x0  }
0x16: {  	s3 =	sld [smem:$0x3FDB];
	s0 =	simm.s32 @p2 $0x1  }
0x17: {  	s4 =	simm.s32 $0x1BF5;
	[smem:$0x3FBB] =	sst s0  }
0x18: {  	s0 =	sld [smem:$0x3F9E];
	_ =	swait.ge [sflag:s4], $0x0  }
0x19: {  	s7 =	sld [smem:$0x3F9F]  }
0x1a: {  	s8 =	sadd.s32 $0xFFFFE003, lr  }
0x1b: {  	s9 =	sadd.s32 $0xFFFFFEF7, lr;
	s5 =	simm.s32 $0xFFFFFFFF;
	p2 =	slt.u32 s8, $0xFFFFF086  }
0x1c: {  	p1 =	slt.u32 s9, $0xF7A;
	s5 =	simm.s32 @!p2 $0x0  }
0x1d: {  	s5 =	simm.s32 @p1 $0x1;
	p0 =	seq.s32 s7, s2  }
0x1e: {  	s7 =	smul.u32 @!p0 $0xF7A, s2;
	p2 =	seq.s32 @!p0 s5, $0x0  }
0x1f: {  	s9 =	smul.u32 $0xF7A, s1;
	s8 =	simm.s32 @!p0 $0x1BF5;
	p2 =	por !p2, p0  }
0x20: {  	[sflag:s8] =	ssyncset.s32 @!p0 $0xFFFFF086;
	s6 =	sadd.s32 @!p0 s3, s7;
	s7 =	simm.s32 @!p0 $0x108  }
0x21: {  	s3 =	sadd.s32 s3, s9;
	s6 =	sadd.s32 @!p0 $0x88, s6;
	s7 =	simm.s32 @p2 $0x1082  }
0x22: {  	[simem:s7], [sflag:s8] =	dma.local @!p0 [hbm:s6], $0xF7A  }
0x23: {  	s9 =	sor.u32 $0xD0000000, s2;
	s6 =	simm.s32 $0x108;
	_ =	swait.ge @!p0 [sflag:s8], $0x0  }
0x24: {  	s3 =	sadd.s32 $0x88, s3;
	s6 =	simm.s32 @!p1 $0x1082;
	[sflag:s4] =	ssyncset.s32 $0xFFFFF086  }
0x25: {  	[simem:s6], [sflag:s4] =	dma.local [hbm:s3], $0xF7A  }
0x26: {  	[smem:$0x3F9F] =	sst s1;
	(tag) =	ssettag s2;
	_ =	strace s9  }
0x27: {  	s1 =	sld [smem:$0x3FAF]  }
0x28: {  	s2 =	sld [smem:$0x3FB0]  }
0x29: {  	s4 =	sld [smem:$0x3FB2]  }
0x2a: {  	p0 =	seq.s32 s5, $0x0;
	s5 =	sld [smem:$0x3FB3]  }
0x2b: {  	s6 =	sld [smem:$0x3FB4]  }
0x2c: {  	s7 =	sld [smem:$0x3FB5]  }
0x2d: {  	s3 =	simm.s32 $0x108;
	s8 =	sld [smem:$0x3FB6]  }
0x2e: {  	s3 =	simm.s32 @!p0 $0x1082;
	s9 =	sld [smem:$0x3FB7]  }
0x2f: {  	lr =	sadd.s32 s0, s3;
	s0 =	sld [smem:$0x3FAE]  }
0x30: {  	s3 =	sld [smem:$0x3FB1]  }
0x31: {  	[smem:$0x3FBA] =	sst s10  }
0x32: {  	s10 =	sld [smem:$0x3FB8];
	_ =	sdelay $0x3  }
0x33: {  	p0 =	seq.s32 s10, $0x1;
	s10 =	sld [smem:$0x3FBA];
	_ =	sdelay $0x3  }
0x34: {  	[smem:$0x3FBA] =	sst s10  }
0x35: {  	s10 =	sld [smem:$0x3FB9];
	_ =	sdelay $0x3  }
0x36: {  	p1 =	seq.s32 s10, $0x1;
	s10 =	sld [smem:$0x3FBA];
	_ =	sdelay $0x3  }
0x37: {  	[smem:$0x3FBA] =	sst s10  }
0x38: {  	s10 =	sld [smem:$0x3FBB]  }
0x39: {  	_ = 	snop;
	(pc) =	sbr.ind lr, $3  }
0x3a: {  	_ = 	snop  }
0x3b: {  	_ = 	snop  }
0x3c: {  	p2 =	seq.s32 s10, $0x1;
	s10 =	sld [smem:$0x3FBA]  }
0x3d: {  	_ =	shalt  }
0x3e: {  	_ =	shalt  }
0x3f: {  	_ =	shalt  }
0x40: {  	_ =	shalt  }
0x41: {  	_ =	shalt  }
0x42: {  	_ =	shalt  }
0x43: {  	_ =	shalt  }
0x44: {  	_ =	shalt  }
0x45: {  	_ =	shalt  }
0x46: {  	_ =	shalt  }
0x47: {  	_ =	shalt  }
0x48: {  	_ =	shalt  }
0x49: {  	_ =	shalt  }
0x4a: {  	_ =	shalt  }
0x4b: {  	_ =	shalt  }
0x4c: {  	_ =	shalt  }
0x4d: {  	_ =	shalt  }
0x4e: {  	_ =	shalt  }
0x4f: {  	_ =	shalt  }
0x50: {  	_ =	shalt  }
0x51: {  	_ =	shalt  }
0x52: {  	_ =	shalt  }
0x53: {  	_ =	shalt  }
0x54: {  	_ =	shalt  }
0x55: {  	_ =	shalt  }
0x56: {  	_ =	shalt  }
0x57: {  	_ =	shalt  }
0x58: {  	_ =	shalt  }
0x59: {  	_ =	shalt  }
0x5a: {  	_ =	shalt  }
0x5b: {  	_ =	shalt  }
0x5c: {  	_ =	shalt  }
0x5d: {  	_ =	shalt  }
0x5e: {  	_ =	shalt  }
0x5f: {  	_ =	shalt  }
0x60: {  	_ =	shalt  }
0x61: {  	_ =	shalt  }
0x62: {  	_ =	shalt  }
0x63: {  	_ =	shalt  }
0x64: {  	_ =	shalt  }
0x65: {  	_ =	shalt  }
0x66: {  	_ =	shalt  }
0x67: {  	_ =	shalt  }
0x68: {  	_ =	shalt  }
0x69: {  	_ =	shalt  }
0x6a: {  	_ =	shalt  }
0x6b: {  	_ =	shalt  }
0x6c: {  	_ =	shalt  }
0x6d: {  	_ =	shalt  }
0x6e: {  	_ =	shalt  }
0x6f: {  	_ =	shalt  }
0x70: {  	_ =	shalt  }
0x71: {  	_ =	shalt  }
0x72: {  	_ =	shalt  }
0x73: {  	_ =	shalt  }
0x74: {  	_ =	shalt  }
0x75: {  	_ =	shalt  }
0x76: {  	_ =	shalt  }
0x77: {  	_ =	shalt  }
0x78: {  	_ =	shalt  }
0x79: {  	_ =	shalt  }
0x7a: {  	_ =	shalt  }
0x7b: {  	_ =	shalt  }
0x7c: {  	_ =	shalt  }
0x7d: {  	_ =	shalt  }
0x7e: {  	_ =	shalt  }
0x7f: {  	_ =	shalt  }
0x80: {  	_ =	shalt  }
0x81: {  	_ =	shalt  }
0x82: {  	_ =	shalt  }
0x83: {  	_ =	shalt  }
0x84: {  	_ =	shalt  }
0x85: {  	_ =	shalt  }
0x86: {  	_ =	shalt  }
0x87: {  	_ =	shalt  }
.Lfunc_end0:
.L_simem_size_0:
called_computation_lowered:
.L_overlay_start_0:
0x88: {  	s2 =	sld [smem:$0x3FD9]  }
0x89: {  	s3 =	sld [smem:$0x3FFE];
	_ =	sdelay $0x1  }
0x8a: {  	s1 =	srdreg.scid  }
0x8b: {  	s0 =	sand.u32 $0x1, s1  }
0x8c: {  	s18 =	sshll.u32 s0, $0xA;
	s2 =	sadd.s32 s3, s2  }
0x8d: {  	s2 =	sadd.s32 s2, s18  }
0x8e: {  	[smem:$0x3FC6] =	sst s2  }
0x8f: {  	_ = 	snop  }
0x90: {  	s2 =	sld [smem:$0x3FC9]  }
0x91: {  	s19 =	sld [smem:$0x3FC8]  }
0x92: {  	s4 =	sld [smem:$0x3FD0];
	(tm) =	ssettm $0x1  }
0x93: {  	s5 =	sld [smem:$0x3FFB];
	_ =	sdelay $0x3  }
0x94: {  	_ =	strace s5  }
0x95: {  	s5 =	sld [smem:$0x3FFC];
	_ =	sdelay $0x3  }
0x96: {  	_ =	strace s5  }
0x97: {  	s5 =	sld [smem:$0x3FFD];
	_ =	sdelay $0x3  }
0x98: {  	_ =	strace s5  }
0x99: {  	_ =	strace $0x8FFFFFFF  }
0x9a: {  	s20 =	sld [smem:$0x3FDB];
	_ =	sdelay $0x1  }
0x9b: {  	s6 =	simm.s32 $_scs_section_size  }
0x9c: {  	s7 =	simm.s32 $_size__tile_overlayer_lowered;
	s8 =	simm.s32 $_tile_overlayer_lowered  }
0x9d: {  	s23 =	simm.s32 $0x1BFF;
	s22 =	sshll.u32 s8, $0x1;
	s5 =	sadd.s32 s6, s20  }
0x9e: {  	s9 =	simm.s32 $0x0;
	s21 =	sshll.u32 s7, $0x1;
	s7 =	sadd.s32 s22, s5  }
0x9f: {  	[timem:s9], [sflag:s23] =	dma.local [hbm:s7], s21  }
0xa0: {  	_ =	swait.ge [sflag:s23], s21  }
0xa1: {  	s6 =	ssub.s32 $0x0, s21;
	[sflag:s23] =	ssyncset.done $0x0  }
0xa2: {  	[sflag:s23] =	ssyncadd.s32 s6;
	_ =	sdelay $0x1  }
0xa3: {  	s24 =	simm.s32 $0x1B8B  }
0xa4: {  	_ =	swait.ge [sflag:s24], $0x1  }
0xa5: {  	[sflag:s24] =	ssyncset.done $0x0  }
0xa6: {  	s25 =	simm.s32 $0x1B8E;
	[sflag:s24] =	ssyncadd.s32 $0xFFFFFFFF  }
0xa7: {  	s26 =	simm.s32 $execute0_lowered;
	[smem:$0x3FD2] =	sst s25  }
0xa8: {  	s6 =	sshll.u32 s26, $0x1;
	_ =	strace $0x80000046;
	[dreg:$0x1] =	wrdreg $0xFFFFFFFF  }
0xa9: {  	s28 =	simm.s32 $_size_execute0_lowered;
	s5 =	sadd.s32 s5, s6;
	[dreg:$0x0] =	wrdreg $0x0  }
0xaa: {  	s6 =	sshll.u32 s28, $0x1;
	[dreg:$0x2] =	wrdreg s5  }
0xab: {  	[dreg:$0x3] =	wrdreg s6  }
0xac: {  	[dreg:$0x4] =	wrdreg $0xC0  }
0xad: {  	_ =	task [dreg:s9], $0x5FFFF  }
0xae: {  	[dreg:$0x1] =	wrdreg $0xFFFFFFFF  }
0xaf: {  	[dreg:$0x0] =	wrdreg $0x60  }
0xb0: {  	[dreg:$0x2] =	wrdreg s2  }
0xb1: {  	[dreg:$0x3] =	wrdreg s19  }
0xb2: {  	[dreg:$0x4] =	wrdreg s4  }
0xb3: {  	[dreg:$0x5] =	wrdreg $0x9  }
0xb4: {  	_ =	task.clear_ibuf [dreg:s9], $0x6FFFF;
	_ =	strace $0x90000046  }
0xb5: {  	s29 =	simm.s32 $0x9;
	_ =	strace $0x80000048  }
0xb6: {  	_ =	swait.ge [sflag:s29], $0x1  }
0xb7: {  	[sflag:s29] =	ssyncadd.s32 $0xFFFFFFFF  }
0xb8: {  	_ =	strace $0x90000048  }
0xb9: {  	_ =	sfence  }
0xba: {  	s30 =	sld [smem:$0x0];
	_ =	sdelay $0x2  }
0xbb: {  	s31 =	sshll.u32 s1, $0xD;
	s1 =	sshrl.u32 s1, $0x2  }
0xbc: {  	s3 =	sand.u32 $0x4000, s31;
	s1 =	sadd.s32 s1, s30  }
0xbd: {  	s0 =	sor.u32 s3, s0;
	s1 =	sshll.u32 s1, $0x11  }
0xbe: {  	s0 =	sor.u32 s1, s0  }
0xbf: {  	s0 =	sadd.s32 $0x8F2B, s0  }
0xc0: {  	[sflag:s0] =	ssyncadd.remote.s32 $0x1  }
0xc1: {  	_ =	sfence.sel $0xFFFF  }
0xc2: {  	[dreg:$0x0] =	wrdreg $0xFFFFFFFF;
	(pc) =	sbr.abs _section_cstart, $3  }
0xc3: {  	[dreg:$0x1] =	wrdreg $0xFFFFFFFF  }
0xc4: {  	_ =	task.clear_ibuf [dreg:s9], $0x2FFFF;
	_ =	strace $0x9FFFFFFF  }
0xc5: {  	(tm) =	ssettm $0x7FFFFFFF  }
tec
execute0_lowered:
.L_overlay_start_1:
0x0: {  	(tag) =	ssettag $0x1  }
0x1: {  	s0 =	rddreg [dreg:$0x0]  }
0x2: {  	s3 =	rddreg [dreg:$0x1];
	s1 =	srdreg.scid  }
0x3: {  	s5 =	rddreg [dreg:$0x2];
	s2 =	stileid.u32;
	s4 =	simm.s32 $0x0  }
0x4: {  	s6 =	sand.u32 $0x1, s1;
	s1 =	rddreg [dreg:$0x3];
	s8 =	smul.u32 $0x5000, s2  }
0x5: {  	s13 =	simm.s32 $0x2900;
	[smem:$0x7FF] =	sst s4;
	s11 =	smul.u32 $0x4F00, s2  }
0x6: {  	v0 =	vimm.f32 $0.0e+00;
	v1 =	vimm.f32 $1.000000000e+00;
	s31 =	sshll.u32 s2, $0x1;
	s7 =	smul.u32 $0x50000, s6;
	s9 =	ssub.s32 $0x2, s6  }
0x7: {  	vm0 =	vcmask $0x704;
	vm1 =	vcmask $0xB08;
	vm14 =	vcmask $0x3F3C;
	_ =	strace $0x80000047;
	s12 =	smul.u32 $0x2780, s6;
	s10 =	sshrl.u32 s9, $0x1  }
0x8: {  	vm2 =	vcmask $0xF0C;
	vm3 =	vcmask $0x1310;
	vm4 =	vcmask $0x1714;
	s7 =	sadd.s32 s8, s7;
	s8 =	sor.u32 s6, s31;
	s9 =	ssub.s32 s9, s10  }
0x9: {  	vm5 =	vcmask $0x1B18;
	vm6 =	vcmask $0x1F1C;
	vm7 =	vcmask $0x2320;
	s10 =	simm.s32 $0x1;
	s7 =	sshrl.u32 s7, $0x3;
	s6 =	smul.u32 $0x4F, s8  }
0xa: {  	vm8 =	vcmask $0x2724;
	vm9 =	vcmask $0x2B28;
	vm10 =	vcmask $0x2F2C;
	s8 =	smax.u32 s9, $0x1;
	s9 =	sadd.s32 s12, s11;
	s5 =	sadd.s32 s5, s7  }
0xb: {  	vm11 =	vcmask $0x3330;
	vm12 =	vcmask $0x3734;
	vm13 =	vcmask $0x3B38;
	s11 =	simm.s32 $0x80;
	s12 =	simm.s32 $0x100;
	s7 =	sadd.s32 $0x10, s5  }
.LBB2_1:
0xc: {  	s14 =	simm.s32 $0x40;
	s15 =	simm.s32 $0x0  }
.LBB2_2:
0xd: {  	p0 =	sne.s32 s14, $0x9FC0;
	[tilespmem:s15+$0x100] =	vst v0;
	s16 =	smov.u32 s14;
	s14 =	sadd.s32 $0x40, s14  }
.Ltmp0:
0xe: {  	[tilespmem:s15+$0x2900] =	vst v0;
	(pc) =	sbr.rel @p0 .LBB2_2-.Ltmp0, $2  }
0xf: {  	_ =	sdelay $0x2  }
0x10: {  	s15 =	sshra.s32 s16, $0x2  }
0x11: {  	[tilespmem:s15+$0x100] =	vst v0  }
0x12: {  	s14 =	simm.s32 $0x0;
	[tilespmem:s15+$0x2900] =	vst v0;
	s15 =	smov.u32 s9;
	s16 =	simm.s32 $0x0  }
.LBB2_4:
0x13: {  	s17 =	sadd.s32 s6, s16  }
0x14: {  	s17 =	sshll.u32 s17, $0x4  }
0x15: {  	s18 =	sadd.s32 s0, s17  }
0x16: {  	[tilespmem:s14], [sflag:$0x1] =	stream.linear.gather [hbm4b:s18+s14], $0x80, $0x38;
	[tilespmem:$0x5100] =	vst v63  }
0x17: {  	_ =	swait.ge [sflag:s10], $0x80  }
0x18: {  	[sflag:s10] =	ssyncset.done $0x0  }
0x19: {  	s17 =	sadd.s32 s3, s17;
	[sflag:s10] =	ssyncadd.s32 $0xFFFFFF80  }
0x1a: {  	[tilespmem:s11], [sflag:$0x1] =	stream.linear.gather [hbm4b:s17+s14], $0x80, $0x38;
	[tilespmem:$0x5100] =	vst v63  }
0x1b: {  	_ =	swait.ge [sflag:s10], $0x80  }
0x1c: {  	[sflag:s10] =	ssyncset.done $0x0  }
0x1d: {  	s31 =	simm.s32 $0x0;
	[sflag:s10] =	ssyncadd.s32 $0xFFFFFF80  }
0x1e: {  	v2 =	vld [tilespmem:s31+$0x0];
	_ =	sdelay $0x2  }
0x1f: {  	v3 =	vld [tilespmem:s31+$0x80];
	_ =	sdelay $0x2  }
0x20: {  	p0 =	slt.u32 s15, $0x4E200  }
0x21: {  	v4 =	vpsel !p0, $0x0, v1  }
0x22: {  	v3 =	vpsel !p0, $0x0, v3;
	[tilespmem:v2+s12+$0x0] =	vst.idx.add.f32.msk $0x1, v4  }
0x23: {  	[tilespmem:v2+s13+$0x0] =	vst.idx.add.f32.msk $0x1, v3  }
0x24: {  	[tilespmem:v2+s12+$0x0] =	vst.idx.add.f32.msk vm0, v4  }
0x25: {  	[tilespmem:v2+s13+$0x0] =	vst.idx.add.f32.msk vm0, v3  }
0x26: {  	[tilespmem:v2+s12+$0x0] =	vst.idx.add.f32.msk vm1, v4  }
0x27: {  	[tilespmem:v2+s13+$0x0] =	vst.idx.add.f32.msk vm1, v3  }
0x28: {  	[tilespmem:v2+s12+$0x0] =	vst.idx.add.f32.msk vm2, v4  }
0x29: {  	[tilespmem:v2+s13+$0x0] =	vst.idx.add.f32.msk vm2, v3  }
0x2a: {  	[tilespmem:v2+s12+$0x0] =	vst.idx.add.f32.msk vm3, v4  }
0x2b: {  	[tilespmem:v2+s13+$0x0] =	vst.idx.add.f32.msk vm3, v3  }
0x2c: {  	[tilespmem:v2+s12+$0x0] =	vst.idx.add.f32.msk vm4, v4  }
0x2d: {  	[tilespmem:v2+s13+$0x0] =	vst.idx.add.f32.msk vm4, v3  }
0x2e: {  	[tilespmem:v2+s12+$0x0] =	vst.idx.add.f32.msk vm5, v4  }
0x2f: {  	[tilespmem:v2+s13+$0x0] =	vst.idx.add.f32.msk vm5, v3  }
0x30: {  	[tilespmem:v2+s12+$0x0] =	vst.idx.add.f32.msk vm6, v4  }
0x31: {  	[tilespmem:v2+s13+$0x0] =	vst.idx.add.f32.msk vm6, v3  }
0x32: {  	[tilespmem:v2+s12+$0x0] =	vst.idx.add.f32.msk vm7, v4  }
0x33: {  	[tilespmem:v2+s13+$0x0] =	vst.idx.add.f32.msk vm7, v3  }
0x34: {  	[tilespmem:v2+s12+$0x0] =	vst.idx.add.f32.msk vm8, v4  }
0x35: {  	[tilespmem:v2+s13+$0x0] =	vst.idx.add.f32.msk vm8, v3  }
0x36: {  	[tilespmem:v2+s12+$0x0] =	vst.idx.add.f32.msk vm9, v4  }
0x37: {  	[tilespmem:v2+s13+$0x0] =	vst.idx.add.f32.msk vm9, v3  }
0x38: {  	[tilespmem:v2+s12+$0x0] =	vst.idx.add.f32.msk vm10, v4  }
0x39: {  	[tilespmem:v2+s13+$0x0] =	vst.idx.add.f32.msk vm10, v3  }
0x3a: {  	[tilespmem:v2+s12+$0x0] =	vst.idx.add.f32.msk vm11, v4  }
0x3b: {  	[tilespmem:v2+s13+$0x0] =	vst.idx.add.f32.msk vm11, v3  }
0x3c: {  	[tilespmem:v2+s12+$0x0] =	vst.idx.add.f32.msk vm12, v4  }
0x3d: {  	[tilespmem:v2+s13+$0x0] =	vst.idx.add.f32.msk vm12, v3  }
0x3e: {  	[tilespmem:v2+s12+$0x0] =	vst.idx.add.f32.msk vm13, v4  }
0x3f: {  	[tilespmem:v2+s13+$0x0] =	vst.idx.add.f32.msk vm13, v3  }
0x40: {  	s20 =	simm.s32 $0x80;
	s18 =	simm.s32 $0x40;
	s17 =	smov.u32 s15;
	[tilespmem:v2+s12+$0x0] =	vst.idx.add.f32.msk vm14, v4  }
.LBB2_5:
0x41: {  	s21 =	sshra.s32 s18, $0x2  }
0x42: {  	[tilespmem:v2+s13+$0x0] =	vst.idx.add.f32.msk vm14, v3;
	s17 =	sadd.s32 $0x10, s17;
	s18 =	smov.u32 s20;
	s19 =	sadd.s32 $0x40, s20  }
0x43: {  	p0 =	sne.s32 s20, $0x1C0;
	v2 =	vld [tilespmem:s21+$0x0];
	_ =	sdelay $0x2  }
0x44: {  	v3 =	vld [tilespmem:s21+$0x80];
	_ =	sdelay $0x2  }
0x45: {  	p1 =	slt.u32 s17, $0x4E200  }
0x46: {  	v4 =	vpsel !p1, $0x0, v1  }
0x47: {  	v3 =	vpsel !p1, $0x0, v3;
	[tilespmem:v2+s12+$0x0] =	vst.idx.add.f32.msk $0x1, v4  }
0x48: {  	[tilespmem:v2+s13+$0x0] =	vst.idx.add.f32.msk $0x1, v3  }
0x49: {  	[tilespmem:v2+s12+$0x0] =	vst.idx.add.f32.msk vm0, v4  }
0x4a: {  	[tilespmem:v2+s13+$0x0] =	vst.idx.add.f32.msk vm0, v3  }
0x4b: {  	[tilespmem:v2+s12+$0x0] =	vst.idx.add.f32.msk vm1, v4  }
0x4c: {  	[tilespmem:v2+s13+$0x0] =	vst.idx.add.f32.msk vm1, v3  }
0x4d: {  	[tilespmem:v2+s12+$0x0] =	vst.idx.add.f32.msk vm2, v4  }
0x4e: {  	[tilespmem:v2+s13+$0x0] =	vst.idx.add.f32.msk vm2, v3  }
0x4f: {  	[tilespmem:v2+s12+$0x0] =	vst.idx.add.f32.msk vm3, v4  }
0x50: {  	[tilespmem:v2+s13+$0x0] =	vst.idx.add.f32.msk vm3, v3  }
0x51: {  	[tilespmem:v2+s12+$0x0] =	vst.idx.add.f32.msk vm4, v4  }
0x52: {  	[tilespmem:v2+s13+$0x0] =	vst.idx.add.f32.msk vm4, v3  }
0x53: {  	[tilespmem:v2+s12+$0x0] =	vst.idx.add.f32.msk vm5, v4  }
0x54: {  	[tilespmem:v2+s13+$0x0] =	vst.idx.add.f32.msk vm5, v3  }
0x55: {  	[tilespmem:v2+s12+$0x0] =	vst.idx.add.f32.msk vm6, v4  }
0x56: {  	[tilespmem:v2+s13+$0x0] =	vst.idx.add.f32.msk vm6, v3  }
0x57: {  	[tilespmem:v2+s12+$0x0] =	vst.idx.add.f32.msk vm7, v4  }
0x58: {  	[tilespmem:v2+s13+$0x0] =	vst.idx.add.f32.msk vm7, v3  }
0x59: {  	[tilespmem:v2+s12+$0x0] =	vst.idx.add.f32.msk vm8, v4  }
0x5a: {  	[tilespmem:v2+s13+$0x0] =	vst.idx.add.f32.msk vm8, v3  }
0x5b: {  	[tilespmem:v2+s12+$0x0] =	vst.idx.add.f32.msk vm9, v4  }
0x5c: {  	[tilespmem:v2+s13+$0x0] =	vst.idx.add.f32.msk vm9, v3  }
0x5d: {  	[tilespmem:v2+s12+$0x0] =	vst.idx.add.f32.msk vm10, v4  }
0x5e: {  	[tilespmem:v2+s13+$0x0] =	vst.idx.add.f32.msk vm10, v3  }
0x5f: {  	[tilespmem:v2+s12+$0x0] =	vst.idx.add.f32.msk vm11, v4  }
0x60: {  	[tilespmem:v2+s13+$0x0] =	vst.idx.add.f32.msk vm11, v3  }
.Ltmp1:
0x61: {  	[tilespmem:v2+s12+$0x0] =	vst.idx.add.f32.msk vm12, v4;
	(pc) =	sbr.rel @p0 .LBB2_5-.Ltmp1, $4  }
0x62: {  	[tilespmem:v2+s13+$0x0] =	vst.idx.add.f32.msk vm12, v3  }
0x63: {  	[tilespmem:v2+s12+$0x0] =	vst.idx.add.f32.msk vm13, v4  }
0x64: {  	[tilespmem:v2+s13+$0x0] =	vst.idx.add.f32.msk vm13, v3  }
0x65: {  	s20 =	smov.u32 s19;
	[tilespmem:v2+s12+$0x0] =	vst.idx.add.f32.msk vm14, v4  }
0x66: {  	_ =	sdelay $0x4  }
0x67: {  	s18 =	sshra.s32 s18, $0x2;
	[tilespmem:v2+s13+$0x0] =	vst.idx.add.f32.msk vm14, v3  }
0x68: {  	v2 =	vld [tilespmem:s18+$0x0];
	_ =	sdelay $0x2  }
0x69: {  	v3 =	vld [tilespmem:s18+$0x80];
	_ =	sdelay $0x1  }
0x6a: {  	s17 =	sadd.s32 $0x10, s17  }
0x6b: {  	p0 =	slt.u32 s17, $0x4E200  }
0x6c: {  	v4 =	vpsel !p0, $0x0, v1  }
0x6d: {  	v3 =	vpsel !p0, $0x0, v3;
	[tilespmem:v2+s12+$0x0] =	vst.idx.add.f32.msk $0x1, v4  }
0x6e: {  	[tilespmem:v2+s13+$0x0] =	vst.idx.add.f32.msk $0x1, v3  }
0x6f: {  	[tilespmem:v2+s12+$0x0] =	vst.idx.add.f32.msk vm0, v4  }
0x70: {  	[tilespmem:v2+s13+$0x0] =	vst.idx.add.f32.msk vm0, v3  }
0x71: {  	[tilespmem:v2+s12+$0x0] =	vst.idx.add.f32.msk vm1, v4  }
0x72: {  	[tilespmem:v2+s13+$0x0] =	vst.idx.add.f32.msk vm1, v3  }
0x73: {  	[tilespmem:v2+s12+$0x0] =	vst.idx.add.f32.msk vm2, v4  }
0x74: {  	[tilespmem:v2+s13+$0x0] =	vst.idx.add.f32.msk vm2, v3  }
0x75: {  	[tilespmem:v2+s12+$0x0] =	vst.idx.add.f32.msk vm3, v4  }
0x76: {  	[tilespmem:v2+s13+$0x0] =	vst.idx.add.f32.msk vm3, v3  }
0x77: {  	[tilespmem:v2+s12+$0x0] =	vst.idx.add.f32.msk vm4, v4  }
0x78: {  	[tilespmem:v2+s13+$0x0] =	vst.idx.add.f32.msk vm4, v3  }
0x79: {  	[tilespmem:v2+s12+$0x0] =	vst.idx.add.f32.msk vm5, v4  }
0x7a: {  	[tilespmem:v2+s13+$0x0] =	vst.idx.add.f32.msk vm5, v3  }
0x7b: {  	[tilespmem:v2+s12+$0x0] =	vst.idx.add.f32.msk vm6, v4  }
0x7c: {  	[tilespmem:v2+s13+$0x0] =	vst.idx.add.f32.msk vm6, v3  }
0x7d: {  	[tilespmem:v2+s12+$0x0] =	vst.idx.add.f32.msk vm7, v4  }
0x7e: {  	[tilespmem:v2+s13+$0x0] =	vst.idx.add.f32.msk vm7, v3  }
0x7f: {  	[tilespmem:v2+s12+$0x0] =	vst.idx.add.f32.msk vm8, v4  }
0x80: {  	[tilespmem:v2+s13+$0x0] =	vst.idx.add.f32.msk vm8, v3  }
0x81: {  	[tilespmem:v2+s12+$0x0] =	vst.idx.add.f32.msk vm9, v4  }
0x82: {  	[tilespmem:v2+s13+$0x0] =	vst.idx.add.f32.msk vm9, v3  }
0x83: {  	[tilespmem:v2+s12+$0x0] =	vst.idx.add.f32.msk vm10, v4  }
0x84: {  	[tilespmem:v2+s13+$0x0] =	vst.idx.add.f32.msk vm10, v3  }
0x85: {  	[tilespmem:v2+s12+$0x0] =	vst.idx.add.f32.msk vm11, v4  }
0x86: {  	s16 =	sadd.s32 $0x1, s16;
	[tilespmem:v2+s13+$0x0] =	vst.idx.add.f32.msk vm11, v3  }
0x87: {  	p0 =	sne.s32 s16, $0x4F;
	[tilespmem:v2+s12+$0x0] =	vst.idx.add.f32.msk vm12, v4  }
.Ltmp2:
0x88: {  	[tilespmem:v2+s13+$0x0] =	vst.idx.add.f32.msk vm12, v3;
	(pc) =	sbr.rel @p0 .LBB2_4-.Ltmp2, $4  }
0x89: {  	[tilespmem:v2+s12+$0x0] =	vst.idx.add.f32.msk vm13, v4  }
0x8a: {  	[tilespmem:v2+s13+$0x0] =	vst.idx.add.f32.msk vm13, v3  }
0x8b: {  	[tilespmem:v2+s12+$0x0] =	vst.idx.add.f32.msk vm14, v4  }
0x8c: {  	s15 =	sadd.s32 $0x80, s15;
	[tilespmem:v2+s13+$0x0] =	vst.idx.add.f32.msk vm14, v3  }
0x8d: {  	[hbm4b:s5+s11] =	stream.strided.scatter [tilespmem:s12], [sflag:$0x1], $0x2800, s12, s11, $0x38;
	[tilespmem:$0x5100] =	vst v63  }
0x8e: {  	s4 =	sadd.s32 $0x1, s4;
	_ =	swait.ge [sflag:s10], $0x2800  }
0x8f: {  	p0 =	sne.s32 s4, s8;
	[sflag:s10] =	ssyncset.done $0x0  }
.Ltmp3:
0x90: {  	[sflag:s10] =	ssyncadd.s32 $0xFFFFD800;
	(pc) =	sbr.rel @p0 .LBB2_1-.Ltmp3, $4  }
0x91: {  	[hbm4b:s7+s11] =	stream.strided.scatter [tilespmem:s13], [sflag:$0x1], $0x2800, s12, s11, $0x38;
	[tilespmem:$0x5100] =	vst v63  }
0x92: {  	_ =	swait.ge [sflag:s10], $0x2800  }
0x93: {  	[sflag:s10] =	ssyncset.done $0x0  }
0x94: {  	[sflag:s10] =	ssyncadd.s32 $0xFFFFD800  }
0x95: {  	_ =	sfence.sel $0x180000  }
0x96: {  	[bflag:$0x0] =	sbarrier.arrive $0xFFFF  }
0x97: {  	p0 =	sne.s32 s2, $0x0;
	_ =	strace $0x90000047  }
0x98: {  	s0 =	sadd.s32 @!p0 $0x100000, s1;
	[bflag:$0x2] =	sbarrier.arrive $0xFFFF  }
0x99: {  	[sflag:s0] =	ssyncadd.tile.s32 @!p0 $0x1;
	_ =	shalt  }
.Lfunc_end2:
_tile_overlayer_lowered:
.L_overlay_start_2:
0x9a: {  	(tag) =	ssettag $0x2  }
0x9b: {  	s0 =	rddreg [dreg:$0x0];
	s2 =	stileid.u32  }
0x9c: {  	s1 =	rddreg [dreg:$0x1];
	p0 =	sne.s32 s2, $0x0  }
0x9d: {  	s3 =	rddreg [dreg:$0x2];
	[bflag:$0x3] =	sbarrier.arrive $0xFFFF;
	s2 =	simm.s32 @!p0 $0x1C01  }
0x9e: {  	[timem:s3], [sflag:s2] =	dma.local @!p0 [hbm:s0], s1  }
0x9f: {  	s0 =	simm.s32 @!p0 $0x1  }
0xa0: {  	_ =	swait.ge @!p0 [sflag:s0], s1  }
0xa1: {  	s1 =	ssub.s32 @!p0 $0x0, s1;
	[sflag:s0] =	ssyncset.done @!p0 $0x0  }
0xa2: {  	[sflag:s0] =	ssyncadd.s32 @!p0 s1  }
0xa3: {  	[bflag:$0x3] =	sbarrier.arrive $0xFFFF  }
0xa4: {  	_ =	shalt  }

</sc_bundles>
